<compile_context>
chip_gen: v7x
topology: tpu7x:2x2x1
jax: 0.10.2.dev20260603
libtpu: 0.0.44.dev20260713+nightly
codegen_flags: <defaults>
</compile_context>

<pallas_src>
import functools

import jax
import jax.numpy as jnp
from jax import lax
from jax.experimental import pallas as pl
from jax.experimental.pallas import tpu as pltpu
from jax.experimental.pallas import tpu_sc as plsc

LENGTH = 65536
ELEM = 256
NC = 1
NS = 16
L = 16
NVEC = ELEM // L

BR = 8192
NG = LENGTH // BR

_mesh = plsc.VectorSubcoreMesh(
    core_axis_name="c", subcore_axis_name="s", num_cores=NC, num_subcores=NS
)


def _tc_reduce(x_ref, o_ref):
    @pl.when(pl.program_id(0) == 0)
    def _init():
        o_ref[...] = jnp.zeros_like(o_ref)

    o_ref[...] += jnp.sum(x_ref[...], axis=0, keepdims=True)


_tc_colsum = pl.pallas_call(
    _tc_reduce,
    grid=(NG,),
    in_specs=[pl.BlockSpec((BR, ELEM), lambda g: (g, 0))],
    out_specs=pl.BlockSpec((1, ELEM), lambda g: (0, 0)),
    out_shape=jax.ShapeDtypeStruct((1, ELEM), jnp.float32),
)


@functools.partial(
    pl.kernel,
    out_type=jax.ShapeDtypeStruct((1, ELEM), jnp.float32),
    mesh=_mesh,
    scratch_types=[
        pltpu.VMEM((L, ELEM), jnp.float32),
        pltpu.VMEM((1, ELEM), jnp.float32),
        pltpu.VMEM((1, ELEM), jnp.float32),
        pltpu.VMEM((L,), jnp.int32),
        pltpu.VMEM((1, ELEM), jnp.float32),
        pltpu.SemaphoreType.DMA,
        pltpu.SemaphoreType.DMA,
        pltpu.SemaphoreType.DMA,
    ],
)
def _sc_finish(buf_hbm, inp_hbm, tc_hbm, iv_hbm, out_hbm,
               rowi_v, inp_v, tc_v, iv_v, o_v, sem_g, sem_i, sem_t):
    wid = lax.axis_index("s") * NC + lax.axis_index("c")

    @pl.when(wid == 0)
    def _():
        inp_cp = pltpu.async_copy(inp_hbm, inp_v, sem_i)
        tc_cp = pltpu.async_copy(tc_hbm, tc_v, sem_t)
        pltpu.sync_copy(iv_hbm, iv_v)
        pltpu.async_copy(buf_hbm.at[iv_v], rowi_v, sem_g).wait()
        inp_cp.wait()
        tc_cp.wait()
        for j in range(NVEC):
            sl = pl.ds(j * L, L)
            o_v[0, sl] = (
                tc_v[0, sl] + inp_v[0, sl] - rowi_v[0, sl]
            ) * (1.0 / LENGTH)
        pltpu.sync_copy(o_v, out_hbm)


def kernel(inputs, buffer, index):
    i = (jnp.asarray(index, jnp.int32) + 1) % LENGTH
    iv = jnp.full((L,), i, dtype=jnp.int32)
    tc_partial = _tc_colsum(buffer)
    return _sc_finish(buffer, inputs.reshape(1, ELEM), tc_partial, iv)[0]

# --- scband reference (transcript-rebuilt; emitter-appended) ---
"""Pipeline reference for scband-rolling-67053029425728 (READ-ONLY COPY).

The authoritative reference and input builder live on the scoring server;
editing this copy changes nothing except your own understanding.
"""

import jax, jax.numpy as jnp
import numpy as np

LENGTH = 65536
ELEM = 256

def setup_inputs(seed: int = 0) -> dict:
    key = jax.random.key(seed)
    k1, k2 = jax.random.split(key)
    inputs = jax.random.normal(k1, (ELEM,), dtype=jnp.float32)
    buffer = jax.random.normal(k2, (LENGTH, ELEM), dtype=jnp.float32)
    index = 100000  # python int scalar state (self.index)
    return {"inputs": inputs, "buffer": buffer, "index": index}

def reference(inputs, buffer, index):
    # Rolling.update_state followed by Rolling.result
    # fn = identity, reduction_fn = reduce_mean
    idx = index + 1                         # self.index.assign_add(1)
    i = idx % LENGTH                        # i = self.index % self.length
    val = inputs                            # val = self.fn(inputs)
    new_buffer = buffer.at[i].set(val)      # self.buffer[i].assign(val)
    n = LENGTH                              # i = min(self.index, self.length)
    result = jnp.mean(new_buffer[:n], axis=0)  # reduction_fn(self.buffer[:i])
    return result

if __name__ == "__main__":
    import jax
    _d = setup_inputs()
    print(jax.jit(kernel)(*tuple(_d.values())))

</pallas_src>

<mosaic_0001>
#map = affine_map<(d0, d1) -> (0, 0)>
#map1 = affine_map<(d0, d1) -> (0)>
module attributes {stable_mosaic.version = 14 : i64} {
  func.func @_sc_finish(%arg0: i32, %arg1: i32, %arg2: memref<65536x256xf32, #tpu.memory_space<hbm>>, %arg3: memref<1x256xf32, #tpu.memory_space<hbm>>, %arg4: memref<1x256xf32, #tpu.memory_space<hbm>>, %arg5: memref<16xi32, #tpu.memory_space<hbm>>, %arg6: memref<1x256xf32, #tpu.memory_space<hbm>>, %arg7: memref<16x256xf32, #tpu.memory_space<vmem>>, %arg8: memref<1x256xf32, #tpu.memory_space<vmem>>, %arg9: memref<1x256xf32, #tpu.memory_space<vmem>>, %arg10: memref<16xi32, #tpu.memory_space<vmem>>, %arg11: memref<1x256xf32, #tpu.memory_space<vmem>>, %arg12: memref<!tpu.dma_semaphore, #tpu.memory_space<semaphore_mem>>, %arg13: memref<!tpu.dma_semaphore, #tpu.memory_space<semaphore_mem>>, %arg14: memref<!tpu.dma_semaphore, #tpu.memory_space<semaphore_mem>>) attributes {dimension_semantics = [#tpu.dimension_semantics<core_parallel>, #tpu.dimension_semantics<subcore_parallel>], iteration_bounds = array<i64: 1, 16>, scalar_prefetch = 0 : i64, scratch_operands = 8 : i64, tpu.core_type = #tpu.core_type<sc_vector_subcore>, window_params = [{transform_indices = #map}, {transform_indices = #map}, {transform_indices = #map}, {transform_indices = #map1}, {transform_indices = #map}]} {
    %mul3A = arith.constant 1 : i32
    %mul3A_0 = arith.muli %arg1, %mul3A : i32
    %add3A = arith.addi %mul3A_0, %arg0 : i32
    %eq3A = arith.constant 0 : i32
    %eq3A_1 = arith.cmpi eq, %add3A, %eq3A : i32
    %convert_element_type3A = arith.extui %eq3A_1 : i1 to i32
    %cond3A = arith.constant 0 : i32
    %cond3A_2 = arith.cmpi ne, %convert_element_type3A, %cond3A : i32
    scf.if %cond3A_2 {
      tpu.enqueue_dma source(%arg3 : memref<1x256xf32, #tpu.memory_space<hbm>>) target(%arg8 : memref<1x256xf32, #tpu.memory_space<vmem>>) target_semaphore(%arg13 : memref<!tpu.dma_semaphore, #tpu.memory_space<semaphore_mem>>)
      tpu.enqueue_dma source(%arg4 : memref<1x256xf32, #tpu.memory_space<hbm>>) target(%arg9 : memref<1x256xf32, #tpu.memory_space<vmem>>) target_semaphore(%arg14 : memref<!tpu.dma_semaphore, #tpu.memory_space<semaphore_mem>>)
      "tpu.region"() ({
        %run_scoped3A = tpu.sem_alloc : memref<!tpu.dma_semaphore, #tpu.memory_space<semaphore_mem>>
        tpu.enqueue_dma source(%arg5 : memref<16xi32, #tpu.memory_space<hbm>>) target(%arg10 : memref<16xi32, #tpu.memory_space<vmem>>) target_semaphore(%run_scoped3A : memref<!tpu.dma_semaphore, #tpu.memory_space<semaphore_mem>>)
        tpu.wait_dma2 semaphore(%run_scoped3A : memref<!tpu.dma_semaphore, #tpu.memory_space<semaphore_mem>>) src(%arg5 : memref<16xi32, #tpu.memory_space<hbm>>) dst(%arg10 : memref<16xi32, #tpu.memory_space<vmem>>)
        tpu.yield
      }) : () -> ()
      %dma_start3A = arith.constant 0 : i32
      %dma_start3A_3 = arith.constant 0 : i32
      %dma_start3A_4 = tpu.memref_slice %arg2[%dma_start3A, %dma_start3A_3] : memref<65536x256xf32, #tpu.memory_space<hbm>> -> memref<65536x256xf32, #tpu.memory_space<hbm>>
      tpu.enqueue_indirect_dma source(%dma_start3A_4 : memref<65536x256xf32, #tpu.memory_space<hbm>>) target(%arg7 : memref<16x256xf32, #tpu.memory_space<vmem>>) offsets(%arg10 : memref<16xi32, #tpu.memory_space<vmem>>) semaphore(%arg12 : memref<!tpu.dma_semaphore, #tpu.memory_space<semaphore_mem>>)
      %dma_wait3A = arith.constant 0 : i32
      %dma_wait3A_5 = arith.constant 0 : i32
      %dma_wait3A_6 = tpu.memref_slice %arg2[%dma_wait3A, %dma_wait3A_5] : memref<65536x256xf32, #tpu.memory_space<hbm>> -> memref<65536x256xf32, #tpu.memory_space<hbm>>
      tpu.wait_indirect_dma semaphore(%arg12 : memref<!tpu.dma_semaphore, #tpu.memory_space<semaphore_mem>>) src(%dma_wait3A_6 : memref<65536x256xf32, #tpu.memory_space<hbm>>) dst(%arg7 : memref<16x256xf32, #tpu.memory_space<vmem>>)
      tpu.wait_dma2 semaphore(%arg13 : memref<!tpu.dma_semaphore, #tpu.memory_space<semaphore_mem>>) src(%arg3 : memref<1x256xf32, #tpu.memory_space<hbm>>) dst(%arg8 : memref<1x256xf32, #tpu.memory_space<vmem>>)
      tpu.wait_dma2 semaphore(%arg14 : memref<!tpu.dma_semaphore, #tpu.memory_space<semaphore_mem>>) src(%arg4 : memref<1x256xf32, #tpu.memory_space<hbm>>) dst(%arg9 : memref<1x256xf32, #tpu.memory_space<vmem>>)
      %get3A = arith.constant 0 : i32
      %get3A_7 = arith.index_cast %get3A : i32 to index
      %get3A_8 = arith.constant 0 : index
      %get3A_9 = tpu.vector_load %arg9[%get3A_7, %get3A_8] {strides = array<i32>} : memref<1x256xf32, #tpu.memory_space<vmem>>, vector<1x16xf32>,
      %get3A_10 = vector.shape_cast %get3A_9 : vector<1x16xf32> to vector<16xf32>
      %get3A_11 = arith.constant 0 : i32
      %get3A_12 = arith.index_cast %get3A_11 : i32 to index
      %get3A_13 = arith.constant 0 : index
      %get3A_14 = tpu.vector_load %arg8[%get3A_12, %get3A_13] {strides = array<i32>} : memref<1x256xf32, #tpu.memory_space<vmem>>, vector<1x16xf32>,
      %get3A_15 = vector.shape_cast %get3A_14 : vector<1x16xf32> to vector<16xf32>
      %add3A_16 = arith.addf %get3A_10, %get3A_15 : vector<16xf32>
      %get3A_17 = arith.constant 0 : i32
      %get3A_18 = arith.index_cast %get3A_17 : i32 to index
      %get3A_19 = arith.constant 0 : index
      %get3A_20 = tpu.vector_load %arg7[%get3A_18, %get3A_19] {strides = array<i32>} : memref<16x256xf32, #tpu.memory_space<vmem>>, vector<1x16xf32>,
      %get3A_21 = vector.shape_cast %get3A_20 : vector<1x16xf32> to vector<16xf32>
      %sub3A = arith.subf %add3A_16, %get3A_21 : vector<16xf32>
      %mul3A_22 = arith.constant 1.52587891E-5 : f32
      %mul3A_23 = vector.broadcast %mul3A_22 : f32 to vector<16xf32>
      %mul3A_24 = arith.mulf %sub3A, %mul3A_23 : vector<16xf32>
      %swap3A = arith.constant 0 : i32
      %swap3A_25 = arith.index_cast %swap3A : i32 to index
      %swap3A_26 = arith.constant 0 : index
      %swap3A_27 = tpu.vector_load %arg11[%swap3A_25, %swap3A_26] {strides = array<i32>} : memref<1x256xf32, #tpu.memory_space<vmem>>, vector<1x16xf32>,
      %swap3A_28 = vector.shape_cast %swap3A_27 : vector<1x16xf32> to vector<16xf32>
      %swap3A_29 = vector.shape_cast %mul3A_24 : vector<16xf32> to vector<1x16xf32>
      tpu.vector_store %arg11[%swap3A_25, %swap3A_26], %swap3A_29 {strides = array<i32>} : memref<1x256xf32, #tpu.memory_space<vmem>>, vector<1x16xf32>,
      %get3A_30 = arith.constant 0 : i32
      %get3A_31 = arith.index_cast %get3A_30 : i32 to index
      %get3A_32 = arith.constant 16 : index
      %get3A_33 = tpu.vector_load %arg9[%get3A_31, %get3A_32] {strides = array<i32>} : memref<1x256xf32, #tpu.memory_space<vmem>>, vector<1x16xf32>,
      %get3A_34 = vector.shape_cast %get3A_33 : vector<1x16xf32> to vector<16xf32>
      %get3A_35 = arith.constant 0 : i32
      %get3A_36 = arith.index_cast %get3A_35 : i32 to index
      %get3A_37 = arith.constant 16 : index
      %get3A_38 = tpu.vector_load %arg8[%get3A_36, %get3A_37] {strides = array<i32>} : memref<1x256xf32, #tpu.memory_space<vmem>>, vector<1x16xf32>,
      %get3A_39 = vector.shape_cast %get3A_38 : vector<1x16xf32> to vector<16xf32>
      %add3A_40 = arith.addf %get3A_34, %get3A_39 : vector<16xf32>
      %get3A_41 = arith.constant 0 : i32
      %get3A_42 = arith.index_cast %get3A_41 : i32 to index
      %get3A_43 = arith.constant 16 : index
      %get3A_44 = tpu.vector_load %arg7[%get3A_42, %get3A_43] {strides = array<i32>} : memref<16x256xf32, #tpu.memory_space<vmem>>, vector<1x16xf32>,
      %get3A_45 = vector.shape_cast %get3A_44 : vector<1x16xf32> to vector<16xf32>
      %sub3A_46 = arith.subf %add3A_40, %get3A_45 : vector<16xf32>
      %mul3A_47 = arith.constant 1.52587891E-5 : f32
      %mul3A_48 = vector.broadcast %mul3A_47 : f32 to vector<16xf32>
      %mul3A_49 = arith.mulf %sub3A_46, %mul3A_48 : vector<16xf32>
      %swap3A_50 = arith.constant 0 : i32
      %swap3A_51 = arith.index_cast %swap3A_50 : i32 to index
      %swap3A_52 = arith.constant 16 : index
      %swap3A_53 = tpu.vector_load %arg11[%swap3A_51, %swap3A_52] {strides = array<i32>} : memref<1x256xf32, #tpu.memory_space<vmem>>, vector<1x16xf32>,
      %swap3A_54 = vector.shape_cast %swap3A_53 : vector<1x16xf32> to vector<16xf32>
      %swap3A_55 = vector.shape_cast %mul3A_49 : vector<16xf32> to vector<1x16xf32>
      tpu.vector_store %arg11[%swap3A_51, %swap3A_52], %swap3A_55 {strides = array<i32>} : memref<1x256xf32, #tpu.memory_space<vmem>>, vector<1x16xf32>,
      %get3A_56 = arith.constant 0 : i32
      %get3A_57 = arith.index_cast %get3A_56 : i32 to index
      %get3A_58 = arith.constant 32 : index
      %get3A_59 = tpu.vector_load %arg9[%get3A_57, %get3A_58] {strides = array<i32>} : memref<1x256xf32, #tpu.memory_space<vmem>>, vector<1x16xf32>,
      %get3A_60 = vector.shape_cast %get3A_59 : vector<1x16xf32> to vector<16xf32>
      %get3A_61 = arith.constant 0 : i32
      %get3A_62 = arith.index_cast %get3A_61 : i32 to index
      %get3A_63 = arith.constant 32 : index
      %get3A_64 = tpu.vector_load %arg8[%get3A_62, %get3A_63] {strides = array<i32>} : memref<1x256xf32, #tpu.memory_space<vmem>>, vector<1x16xf32>,
      %get3A_65 = vector.shape_cast %get3A_64 : vector<1x16xf32> to vector<16xf32>
      %add3A_66 = arith.addf %get3A_60, %get3A_65 : vector<16xf32>
      %get3A_67 = arith.constant 0 : i32
      %get3A_68 = arith.index_cast %get3A_67 : i32 to index
      %get3A_69 = arith.constant 32 : index
      %get3A_70 = tpu.vector_load %arg7[%get3A_68, %get3A_69] {strides = array<i32>} : memref<16x256xf32, #tpu.memory_space<vmem>>, vector<1x16xf32>,
      %get3A_71 = vector.shape_cast %get3A_70 : vector<1x16xf32> to vector<16xf32>
      %sub3A_72 = arith.subf %add3A_66, %get3A_71 : vector<16xf32>
      %mul3A_73 = arith.constant 1.52587891E-5 : f32
      %mul3A_74 = vector.broadcast %mul3A_73 : f32 to vector<16xf32>
      %mul3A_75 = arith.mulf %sub3A_72, %mul3A_74 : vector<16xf32>
      %swap3A_76 = arith.constant 0 : i32
      %swap3A_77 = arith.index_cast %swap3A_76 : i32 to index
      %swap3A_78 = arith.constant 32 : index
      %swap3A_79 = tpu.vector_load %arg11[%swap3A_77, %swap3A_78] {strides = array<i32>} : memref<1x256xf32, #tpu.memory_space<vmem>>, vector<1x16xf32>,
      %swap3A_80 = vector.shape_cast %swap3A_79 : vector<1x16xf32> to vector<16xf32>
      %swap3A_81 = vector.shape_cast %mul3A_75 : vector<16xf32> to vector<1x16xf32>
      tpu.vector_store %arg11[%swap3A_77, %swap3A_78], %swap3A_81 {strides = array<i32>} : memref<1x256xf32, #tpu.memory_space<vmem>>, vector<1x16xf32>,
      %get3A_82 = arith.constant 0 : i32
      %get3A_83 = arith.index_cast %get3A_82 : i32 to index
      %get3A_84 = arith.constant 48 : index
      %get3A_85 = tpu.vector_load %arg9[%get3A_83, %get3A_84] {strides = array<i32>} : memref<1x256xf32, #tpu.memory_space<vmem>>, vector<1x16xf32>,
      %get3A_86 = vector.shape_cast %get3A_85 : vector<1x16xf32> to vector<16xf32>
      %get3A_87 = arith.constant 0 : i32
      %get3A_88 = arith.index_cast %get3A_87 : i32 to index
      %get3A_89 = arith.constant 48 : index
      %get3A_90 = tpu.vector_load %arg8[%get3A_88, %get3A_89] {strides = array<i32>} : memref<1x256xf32, #tpu.memory_space<vmem>>, vector<1x16xf32>,
      %get3A_91 = vector.shape_cast %get3A_90 : vector<1x16xf32> to vector<16xf32>
      %add3A_92 = arith.addf %get3A_86, %get3A_91 : vector<16xf32>
      %get3A_93 = arith.constant 0 : i32
      %get3A_94 = arith.index_cast %get3A_93 : i32 to index
      %get3A_95 = arith.constant 48 : index
      %get3A_96 = tpu.vector_load %arg7[%get3A_94, %get3A_95] {strides = array<i32>} : memref<16x256xf32, #tpu.memory_space<vmem>>, vector<1x16xf32>,
      %get3A_97 = vector.shape_cast %get3A_96 : vector<1x16xf32> to vector<16xf32>
      %sub3A_98 = arith.subf %add3A_92, %get3A_97 : vector<16xf32>
      %mul3A_99 = arith.constant 1.52587891E-5 : f32
      %mul3A_100 = vector.broadcast %mul3A_99 : f32 to vector<16xf32>
      %mul3A_101 = arith.mulf %sub3A_98, %mul3A_100 : vector<16xf32>
      %swap3A_102 = arith.constant 0 : i32
      %swap3A_103 = arith.index_cast %swap3A_102 : i32 to index
      %swap3A_104 = arith.constant 48 : index
      %swap3A_105 = tpu.vector_load %arg11[%swap3A_103, %swap3A_104] {strides = array<i32>} : memref<1x256xf32, #tpu.memory_space<vmem>>, vector<1x16xf32>,
      %swap3A_106 = vector.shape_cast %swap3A_105 : vector<1x16xf32> to vector<16xf32>
      %swap3A_107 = vector.shape_cast %mul3A_101 : vector<16xf32> to vector<1x16xf32>
      tpu.vector_store %arg11[%swap3A_103, %swap3A_104], %swap3A_107 {strides = array<i32>} : memref<1x256xf32, #tpu.memory_space<vmem>>, vector<1x16xf32>,
      %get3A_108 = arith.constant 0 : i32
      %get3A_109 = arith.index_cast %get3A_108 : i32 to index
      %get3A_110 = arith.constant 64 : index
      %get3A_111 = tpu.vector_load %arg9[%get3A_109, %get3A_110] {strides = array<i32>} : memref<1x256xf32, #tpu.memory_space<vmem>>, vector<1x16xf32>,
      %get3A_112 = vector.shape_cast %get3A_111 : vector<1x16xf32> to vector<16xf32>
      %get3A_113 = arith.constant 0 : i32
      %get3A_114 = arith.index_cast %get3A_113 : i32 to index
      %get3A_115 = arith.constant 64 : index
      %get3A_116 = tpu.vector_load %arg8[%get3A_114, %get3A_115] {strides = array<i32>} : memref<1x256xf32, #tpu.memory_space<vmem>>, vector<1x16xf32>,
      %get3A_117 = vector.shape_cast %get3A_116 : vector<1x16xf32> to vector<16xf32>
      %add3A_118 = arith.addf %get3A_112, %get3A_117 : vector<16xf32>
      %get3A_119 = arith.constant 0 : i32
      %get3A_120 = arith.index_cast %get3A_119 : i32 to index
      %get3A_121 = arith.constant 64 : index
      %get3A_122 = tpu.vector_load %arg7[%get3A_120, %get3A_121] {strides = array<i32>} : memref<16x256xf32, #tpu.memory_space<vmem>>, vector<1x16xf32>,
      %get3A_123 = vector.shape_cast %get3A_122 : vector<1x16xf32> to vector<16xf32>
      %sub3A_124 = arith.subf %add3A_118, %get3A_123 : vector<16xf32>
      %mul3A_125 = arith.constant 1.52587891E-5 : f32
      %mul3A_126 = vector.broadcast %mul3A_125 : f32 to vector<16xf32>
      %mul3A_127 = arith.mulf %sub3A_124, %mul3A_126 : vector<16xf32>
      %swap3A_128 = arith.constant 0 : i32
      %swap3A_129 = arith.index_cast %swap3A_128 : i32 to index
      %swap3A_130 = arith.constant 64 : index
      %swap3A_131 = tpu.vector_load %arg11[%swap3A_129, %swap3A_130] {strides = array<i32>} : memref<1x256xf32, #tpu.memory_space<vmem>>, vector<1x16xf32>,
      %swap3A_132 = vector.shape_cast %swap3A_131 : vector<1x16xf32> to vector<16xf32>
      %swap3A_133 = vector.shape_cast %mul3A_127 : vector<16xf32> to vector<1x16xf32>
      tpu.vector_store %arg11[%swap3A_129, %swap3A_130], %swap3A_133 {strides = array<i32>} : memref<1x256xf32, #tpu.memory_space<vmem>>, vector<1x16xf32>,
      %get3A_134 = arith.constant 0 : i32
      %get3A_135 = arith.index_cast %get3A_134 : i32 to index
      %get3A_136 = arith.constant 80 : index
      %get3A_137 = tpu.vector_load %arg9[%get3A_135, %get3A_136] {strides = array<i32>} : memref<1x256xf32, #tpu.memory_space<vmem>>, vector<1x16xf32>,
      %get3A_138 = vector.shape_cast %get3A_137 : vector<1x16xf32> to vector<16xf32>
      %get3A_139 = arith.constant 0 : i32
      %get3A_140 = arith.index_cast %get3A_139 : i32 to index
      %get3A_141 = arith.constant 80 : index
      %get3A_142 = tpu.vector_load %arg8[%get3A_140, %get3A_141] {strides = array<i32>} : memref<1x256xf32, #tpu.memory_space<vmem>>, vector<1x16xf32>,
      %get3A_143 = vector.shape_cast %get3A_142 : vector<1x16xf32> to vector<16xf32>
      %add3A_144 = arith.addf %get3A_138, %get3A_143 : vector<16xf32>
      %get3A_145 = arith.constant 0 : i32
      %get3A_146 = arith.index_cast %get3A_145 : i32 to index
      %get3A_147 = arith.constant 80 : index
      %get3A_148 = tpu.vector_load %arg7[%get3A_146, %get3A_147] {strides = array<i32>} : memref<16x256xf32, #tpu.memory_space<vmem>>, vector<1x16xf32>,
      %get3A_149 = vector.shape_cast %get3A_148 : vector<1x16xf32> to vector<16xf32>
      %sub3A_150 = arith.subf %add3A_144, %get3A_149 : vector<16xf32>
      %mul3A_151 = arith.constant 1.52587891E-5 : f32
      %mul3A_152 = vector.broadcast %mul3A_151 : f32 to vector<16xf32>
      %mul3A_153 = arith.mulf %sub3A_150, %mul3A_152 : vector<16xf32>
      %swap3A_154 = arith.constant 0 : i32
      %swap3A_155 = arith.index_cast %swap3A_154 : i32 to index
      %swap3A_156 = arith.constant 80 : index
      %swap3A_157 = tpu.vector_load %arg11[%swap3A_155, %swap3A_156] {strides = array<i32>} : memref<1x256xf32, #tpu.memory_space<vmem>>, vector<1x16xf32>,
      %swap3A_158 = vector.shape_cast %swap3A_157 : vector<1x16xf32> to vector<16xf32>
      %swap3A_159 = vector.shape_cast %mul3A_153 : vector<16xf32> to vector<1x16xf32>
      tpu.vector_store %arg11[%swap3A_155, %swap3A_156], %swap3A_159 {strides = array<i32>} : memref<1x256xf32, #tpu.memory_space<vmem>>, vector<1x16xf32>,
      %get3A_160 = arith.constant 0 : i32
      %get3A_161 = arith.index_cast %get3A_160 : i32 to index
      %get3A_162 = arith.constant 96 : index
      %get3A_163 = tpu.vector_load %arg9[%get3A_161, %get3A_162] {strides = array<i32>} : memref<1x256xf32, #tpu.memory_space<vmem>>, vector<1x16xf32>,
      %get3A_164 = vector.shape_cast %get3A_163 : vector<1x16xf32> to vector<16xf32>
      %get3A_165 = arith.constant 0 : i32
      %get3A_166 = arith.index_cast %get3A_165 : i32 to index
      %get3A_167 = arith.constant 96 : index
      %get3A_168 = tpu.vector_load %arg8[%get3A_166, %get3A_167] {strides = array<i32>} : memref<1x256xf32, #tpu.memory_space<vmem>>, vector<1x16xf32>,
      %get3A_169 = vector.shape_cast %get3A_168 : vector<1x16xf32> to vector<16xf32>
      %add3A_170 = arith.addf %get3A_164, %get3A_169 : vector<16xf32>
      %get3A_171 = arith.constant 0 : i32
      %get3A_172 = arith.index_cast %get3A_171 : i32 to index
      %get3A_173 = arith.constant 96 : index
      %get3A_174 = tpu.vector_load %arg7[%get3A_172, %get3A_173] {strides = array<i32>} : memref<16x256xf32, #tpu.memory_space<vmem>>, vector<1x16xf32>,
      %get3A_175 = vector.shape_cast %get3A_174 : vector<1x16xf32> to vector<16xf32>
      %sub3A_176 = arith.subf %add3A_170, %get3A_175 : vector<16xf32>
      %mul3A_177 = arith.constant 1.52587891E-5 : f32
      %mul3A_178 = vector.broadcast %mul3A_177 : f32 to vector<16xf32>
      %mul3A_179 = arith.mulf %sub3A_176, %mul3A_178 : vector<16xf32>
      %swap3A_180 = arith.constant 0 : i32
      %swap3A_181 = arith.index_cast %swap3A_180 : i32 to index
      %swap3A_182 = arith.constant 96 : index
      %swap3A_183 = tpu.vector_load %arg11[%swap3A_181, %swap3A_182] {strides = array<i32>} : memref<1x256xf32, #tpu.memory_space<vmem>>, vector<1x16xf32>,
      %swap3A_184 = vector.shape_cast %swap3A_183 : vector<1x16xf32> to vector<16xf32>
      %swap3A_185 = vector.shape_cast %mul3A_179 : vector<16xf32> to vector<1x16xf32>
      tpu.vector_store %arg11[%swap3A_181, %swap3A_182], %swap3A_185 {strides = array<i32>} : memref<1x256xf32, #tpu.memory_space<vmem>>, vector<1x16xf32>,
      %get3A_186 = arith.constant 0 : i32
      %get3A_187 = arith.index_cast %get3A_186 : i32 to index
      %get3A_188 = arith.constant 112 : index
      %get3A_189 = tpu.vector_load %arg9[%get3A_187, %get3A_188] {strides = array<i32>} : memref<1x256xf32, #tpu.memory_space<vmem>>, vector<1x16xf32>,
      %get3A_190 = vector.shape_cast %get3A_189 : vector<1x16xf32> to vector<16xf32>
      %get3A_191 = arith.constant 0 : i32
      %get3A_192 = arith.index_cast %get3A_191 : i32 to index
      %get3A_193 = arith.constant 112 : index
      %get3A_194 = tpu.vector_load %arg8[%get3A_192, %get3A_193] {strides = array<i32>} : memref<1x256xf32, #tpu.memory_space<vmem>>, vector<1x16xf32>,
      %get3A_195 = vector.shape_cast %get3A_194 : vector<1x16xf32> to vector<16xf32>
      %add3A_196 = arith.addf %get3A_190, %get3A_195 : vector<16xf32>
      %get3A_197 = arith.constant 0 : i32
      %get3A_198 = arith.index_cast %get3A_197 : i32 to index
      %get3A_199 = arith.constant 112 : index
      %get3A_200 = tpu.vector_load %arg7[%get3A_198, %get3A_199] {strides = array<i32>} : memref<16x256xf32, #tpu.memory_space<vmem>>, vector<1x16xf32>,
      %get3A_201 = vector.shape_cast %get3A_200 : vector<1x16xf32> to vector<16xf32>
      %sub3A_202 = arith.subf %add3A_196, %get3A_201 : vector<16xf32>
      %mul3A_203 = arith.constant 1.52587891E-5 : f32
      %mul3A_204 = vector.broadcast %mul3A_203 : f32 to vector<16xf32>
      %mul3A_205 = arith.mulf %sub3A_202, %mul3A_204 : vector<16xf32>
      %swap3A_206 = arith.constant 0 : i32
      %swap3A_207 = arith.index_cast %swap3A_206 : i32 to index
      %swap3A_208 = arith.constant 112 : index
      %swap3A_209 = tpu.vector_load %arg11[%swap3A_207, %swap3A_208] {strides = array<i32>} : memref<1x256xf32, #tpu.memory_space<vmem>>, vector<1x16xf32>,
      %swap3A_210 = vector.shape_cast %swap3A_209 : vector<1x16xf32> to vector<16xf32>
      %swap3A_211 = vector.shape_cast %mul3A_205 : vector<16xf32> to vector<1x16xf32>
      tpu.vector_store %arg11[%swap3A_207, %swap3A_208], %swap3A_211 {strides = array<i32>} : memref<1x256xf32, #tpu.memory_space<vmem>>, vector<1x16xf32>,
      %get3A_212 = arith.constant 0 : i32
      %get3A_213 = arith.index_cast %get3A_212 : i32 to index
      %get3A_214 = arith.constant 128 : index
      %get3A_215 = tpu.vector_load %arg9[%get3A_213, %get3A_214] {strides = array<i32>} : memref<1x256xf32, #tpu.memory_space<vmem>>, vector<1x16xf32>,
      %get3A_216 = vector.shape_cast %get3A_215 : vector<1x16xf32> to vector<16xf32>
      %get3A_217 = arith.constant 0 : i32
      %get3A_218 = arith.index_cast %get3A_217 : i32 to index
      %get3A_219 = arith.constant 128 : index
      %get3A_220 = tpu.vector_load %arg8[%get3A_218, %get3A_219] {strides = array<i32>} : memref<1x256xf32, #tpu.memory_space<vmem>>, vector<1x16xf32>,
      %get3A_221 = vector.shape_cast %get3A_220 : vector<1x16xf32> to vector<16xf32>
      %add3A_222 = arith.addf %get3A_216, %get3A_221 : vector<16xf32>
      %get3A_223 = arith.constant 0 : i32
      %get3A_224 = arith.index_cast %get3A_223 : i32 to index
      %get3A_225 = arith.constant 128 : index
      %get3A_226 = tpu.vector_load %arg7[%get3A_224, %get3A_225] {strides = array<i32>} : memref<16x256xf32, #tpu.memory_space<vmem>>, vector<1x16xf32>,
      %get3A_227 = vector.shape_cast %get3A_226 : vector<1x16xf32> to vector<16xf32>
      %sub3A_228 = arith.subf %add3A_222, %get3A_227 : vector<16xf32>
      %mul3A_229 = arith.constant 1.52587891E-5 : f32
      %mul3A_230 = vector.broadcast %mul3A_229 : f32 to vector<16xf32>
      %mul3A_231 = arith.mulf %sub3A_228, %mul3A_230 : vector<16xf32>
      %swap3A_232 = arith.constant 0 : i32
      %swap3A_233 = arith.index_cast %swap3A_232 : i32 to index
      %swap3A_234 = arith.constant 128 : index
      %swap3A_235 = tpu.vector_load %arg11[%swap3A_233, %swap3A_234] {strides = array<i32>} : memref<1x256xf32, #tpu.memory_space<vmem>>, vector<1x16xf32>,
      %swap3A_236 = vector.shape_cast %swap3A_235 : vector<1x16xf32> to vector<16xf32>
      %swap3A_237 = vector.shape_cast %mul3A_231 : vector<16xf32> to vector<1x16xf32>
      tpu.vector_store %arg11[%swap3A_233, %swap3A_234], %swap3A_237 {strides = array<i32>} : memref<1x256xf32, #tpu.memory_space<vmem>>, vector<1x16xf32>,
      %get3A_238 = arith.constant 0 : i32
      %get3A_239 = arith.index_cast %get3A_238 : i32 to index
      %get3A_240 = arith.constant 144 : index
      %get3A_241 = tpu.vector_load %arg9[%get3A_239, %get3A_240] {strides = array<i32>} : memref<1x256xf32, #tpu.memory_space<vmem>>, vector<1x16xf32>,
      %get3A_242 = vector.shape_cast %get3A_241 : vector<1x16xf32> to vector<16xf32>
      %get3A_243 = arith.constant 0 : i32
      %get3A_244 = arith.index_cast %get3A_243 : i32 to index
      %get3A_245 = arith.constant 144 : index
      %get3A_246 = tpu.vector_load %arg8[%get3A_244, %get3A_245] {strides = array<i32>} : memref<1x256xf32, #tpu.memory_space<vmem>>, vector<1x16xf32>,
      %get3A_247 = vector.shape_cast %get3A_246 : vector<1x16xf32> to vector<16xf32>
      %add3A_248 = arith.addf %get3A_242, %get3A_247 : vector<16xf32>
      %get3A_249 = arith.constant 0 : i32
      %get3A_250 = arith.index_cast %get3A_249 : i32 to index
      %get3A_251 = arith.constant 144 : index
      %get3A_252 = tpu.vector_load %arg7[%get3A_250, %get3A_251] {strides = array<i32>} : memref<16x256xf32, #tpu.memory_space<vmem>>, vector<1x16xf32>,
      %get3A_253 = vector.shape_cast %get3A_252 : vector<1x16xf32> to vector<16xf32>
      %sub3A_254 = arith.subf %add3A_248, %get3A_253 : vector<16xf32>
      %mul3A_255 = arith.constant 1.52587891E-5 : f32
      %mul3A_256 = vector.broadcast %mul3A_255 : f32 to vector<16xf32>
      %mul3A_257 = arith.mulf %sub3A_254, %mul3A_256 : vector<16xf32>
      %swap3A_258 = arith.constant 0 : i32
      %swap3A_259 = arith.index_cast %swap3A_258 : i32 to index
      %swap3A_260 = arith.constant 144 : index
      %swap3A_261 = tpu.vector_load %arg11[%swap3A_259, %swap3A_260] {strides = array<i32>} : memref<1x256xf32, #tpu.memory_space<vmem>>, vector<1x16xf32>,
      %swap3A_262 = vector.shape_cast %swap3A_261 : vector<1x16xf32> to vector<16xf32>
      %swap3A_263 = vector.shape_cast %mul3A_257 : vector<16xf32> to vector<1x16xf32>
      tpu.vector_store %arg11[%swap3A_259, %swap3A_260], %swap3A_263 {strides = array<i32>} : memref<1x256xf32, #tpu.memory_space<vmem>>, vector<1x16xf32>,
      %get3A_264 = arith.constant 0 : i32
      %get3A_265 = arith.index_cast %get3A_264 : i32 to index
      %get3A_266 = arith.constant 160 : index
      %get3A_267 = tpu.vector_load %arg9[%get3A_265, %get3A_266] {strides = array<i32>} : memref<1x256xf32, #tpu.memory_space<vmem>>, vector<1x16xf32>,
      %get3A_268 = vector.shape_cast %get3A_267 : vector<1x16xf32> to vector<16xf32>
      %get3A_269 = arith.constant 0 : i32
      %get3A_270 = arith.index_cast %get3A_269 : i32 to index
      %get3A_271 = arith.constant 160 : index
      %get3A_272 = tpu.vector_load %arg8[%get3A_270, %get3A_271] {strides = array<i32>} : memref<1x256xf32, #tpu.memory_space<vmem>>, vector<1x16xf32>,
      %get3A_273 = vector.shape_cast %get3A_272 : vector<1x16xf32> to vector<16xf32>
      %add3A_274 = arith.addf %get3A_268, %get3A_273 : vector<16xf32>
      %get3A_275 = arith.constant 0 : i32
      %get3A_276 = arith.index_cast %get3A_275 : i32 to index
      %get3A_277 = arith.constant 160 : index
      %get3A_278 = tpu.vector_load %arg7[%get3A_276, %get3A_277] {strides = array<i32>} : memref<16x256xf32, #tpu.memory_space<vmem>>, vector<1x16xf32>,
      %get3A_279 = vector.shape_cast %get3A_278 : vector<1x16xf32> to vector<16xf32>
      %sub3A_280 = arith.subf %add3A_274, %get3A_279 : vector<16xf32>
      %mul3A_281 = arith.constant 1.52587891E-5 : f32
      %mul3A_282 = vector.broadcast %mul3A_281 : f32 to vector<16xf32>
      %mul3A_283 = arith.mulf %sub3A_280, %mul3A_282 : vector<16xf32>
      %swap3A_284 = arith.constant 0 : i32
      %swap3A_285 = arith.index_cast %swap3A_284 : i32 to index
      %swap3A_286 = arith.constant 160 : index
      %swap3A_287 = tpu.vector_load %arg11[%swap3A_285, %swap3A_286] {strides = array<i32>} : memref<1x256xf32, #tpu.memory_space<vmem>>, vector<1x16xf32>,
      %swap3A_288 = vector.shape_cast %swap3A_287 : vector<1x16xf32> to vector<16xf32>
      %swap3A_289 = vector.shape_cast %mul3A_283 : vector<16xf32> to vector<1x16xf32>
      tpu.vector_store %arg11[%swap3A_285, %swap3A_286], %swap3A_289 {strides = array<i32>} : memref<1x256xf32, #tpu.memory_space<vmem>>, vector<1x16xf32>,
      %get3A_290 = arith.constant 0 : i32
      %get3A_291 = arith.index_cast %get3A_290 : i32 to index
      %get3A_292 = arith.constant 176 : index
      %get3A_293 = tpu.vector_load %arg9[%get3A_291, %get3A_292] {strides = array<i32>} : memref<1x256xf32, #tpu.memory_space<vmem>>, vector<1x16xf32>,
      %get3A_294 = vector.shape_cast %get3A_293 : vector<1x16xf32> to vector<16xf32>
      %get3A_295 = arith.constant 0 : i32
      %get3A_296 = arith.index_cast %get3A_295 : i32 to index
      %get3A_297 = arith.constant 176 : index
      %get3A_298 = tpu.vector_load %arg8[%get3A_296, %get3A_297] {strides = array<i32>} : memref<1x256xf32, #tpu.memory_space<vmem>>, vector<1x16xf32>,
      %get3A_299 = vector.shape_cast %get3A_298 : vector<1x16xf32> to vector<16xf32>
      %add3A_300 = arith.addf %get3A_294, %get3A_299 : vector<16xf32>
      %get3A_301 = arith.constant 0 : i32
      %get3A_302 = arith.index_cast %get3A_301 : i32 to index
      %get3A_303 = arith.constant 176 : index
      %get3A_304 = tpu.vector_load %arg7[%get3A_302, %get3A_303] {strides = array<i32>} : memref<16x256xf32, #tpu.memory_space<vmem>>, vector<1x16xf32>,
      %get3A_305 = vector.shape_cast %get3A_304 : vector<1x16xf32> to vector<16xf32>
      %sub3A_306 = arith.subf %add3A_300, %get3A_305 : vector<16xf32>
      %mul3A_307 = arith.constant 1.52587891E-5 : f32
      %mul3A_308 = vector.broadcast %mul3A_307 : f32 to vector<16xf32>
      %mul3A_309 = arith.mulf %sub3A_306, %mul3A_308 : vector<16xf32>
      %swap3A_310 = arith.constant 0 : i32
      %swap3A_311 = arith.index_cast %swap3A_310 : i32 to index
      %swap3A_312 = arith.constant 176 : index
      %swap3A_313 = tpu.vector_load %arg11[%swap3A_311, %swap3A_312] {strides = array<i32>} : memref<1x256xf32, #tpu.memory_space<vmem>>, vector<1x16xf32>,
      %swap3A_314 = vector.shape_cast %swap3A_313 : vector<1x16xf32> to vector<16xf32>
      %swap3A_315 = vector.shape_cast %mul3A_309 : vector<16xf32> to vector<1x16xf32>
      tpu.vector_store %arg11[%swap3A_311, %swap3A_312], %swap3A_315 {strides = array<i32>} : memref<1x256xf32, #tpu.memory_space<vmem>>, vector<1x16xf32>,
      %get3A_316 = arith.constant 0 : i32
      %get3A_317 = arith.index_cast %get3A_316 : i32 to index
      %get3A_318 = arith.constant 192 : index
      %get3A_319 = tpu.vector_load %arg9[%get3A_317, %get3A_318] {strides = array<i32>} : memref<1x256xf32, #tpu.memory_space<vmem>>, vector<1x16xf32>,
      %get3A_320 = vector.shape_cast %get3A_319 : vector<1x16xf32> to vector<16xf32>
      %get3A_321 = arith.constant 0 : i32
      %get3A_322 = arith.index_cast %get3A_321 : i32 to index
      %get3A_323 = arith.constant 192 : index
      %get3A_324 = tpu.vector_load %arg8[%get3A_322, %get3A_323] {strides = array<i32>} : memref<1x256xf32, #tpu.memory_space<vmem>>, vector<1x16xf32>,
      %get3A_325 = vector.shape_cast %get3A_324 : vector<1x16xf32> to vector<16xf32>
      %add3A_326 = arith.addf %get3A_320, %get3A_325 : vector<16xf32>
      %get3A_327 = arith.constant 0 : i32
      %get3A_328 = arith.index_cast %get3A_327 : i32 to index
      %get3A_329 = arith.constant 192 : index
      %get3A_330 = tpu.vector_load %arg7[%get3A_328, %get3A_329] {strides = array<i32>} : memref<16x256xf32, #tpu.memory_space<vmem>>, vector<1x16xf32>,
      %get3A_331 = vector.shape_cast %get3A_330 : vector<1x16xf32> to vector<16xf32>
      %sub3A_332 = arith.subf %add3A_326, %get3A_331 : vector<16xf32>
      %mul3A_333 = arith.constant 1.52587891E-5 : f32
      %mul3A_334 = vector.broadcast %mul3A_333 : f32 to vector<16xf32>
      %mul3A_335 = arith.mulf %sub3A_332, %mul3A_334 : vector<16xf32>
      %swap3A_336 = arith.constant 0 : i32
      %swap3A_337 = arith.index_cast %swap3A_336 : i32 to index
      %swap3A_338 = arith.constant 192 : index
      %swap3A_339 = tpu.vector_load %arg11[%swap3A_337, %swap3A_338] {strides = array<i32>} : memref<1x256xf32, #tpu.memory_space<vmem>>, vector<1x16xf32>,
      %swap3A_340 = vector.shape_cast %swap3A_339 : vector<1x16xf32> to vector<16xf32>
      %swap3A_341 = vector.shape_cast %mul3A_335 : vector<16xf32> to vector<1x16xf32>
      tpu.vector_store %arg11[%swap3A_337, %swap3A_338], %swap3A_341 {strides = array<i32>} : memref<1x256xf32, #tpu.memory_space<vmem>>, vector<1x16xf32>,
      %get3A_342 = arith.constant 0 : i32
      %get3A_343 = arith.index_cast %get3A_342 : i32 to index
      %get3A_344 = arith.constant 208 : index
      %get3A_345 = tpu.vector_load %arg9[%get3A_343, %get3A_344] {strides = array<i32>} : memref<1x256xf32, #tpu.memory_space<vmem>>, vector<1x16xf32>,
      %get3A_346 = vector.shape_cast %get3A_345 : vector<1x16xf32> to vector<16xf32>
      %get3A_347 = arith.constant 0 : i32
      %get3A_348 = arith.index_cast %get3A_347 : i32 to index
      %get3A_349 = arith.constant 208 : index
      %get3A_350 = tpu.vector_load %arg8[%get3A_348, %get3A_349] {strides = array<i32>} : memref<1x256xf32, #tpu.memory_space<vmem>>, vector<1x16xf32>,
      %get3A_351 = vector.shape_cast %get3A_350 : vector<1x16xf32> to vector<16xf32>
      %add3A_352 = arith.addf %get3A_346, %get3A_351 : vector<16xf32>
      %get3A_353 = arith.constant 0 : i32
      %get3A_354 = arith.index_cast %get3A_353 : i32 to index
      %get3A_355 = arith.constant 208 : index
      %get3A_356 = tpu.vector_load %arg7[%get3A_354, %get3A_355] {strides = array<i32>} : memref<16x256xf32, #tpu.memory_space<vmem>>, vector<1x16xf32>,
      %get3A_357 = vector.shape_cast %get3A_356 : vector<1x16xf32> to vector<16xf32>
      %sub3A_358 = arith.subf %add3A_352, %get3A_357 : vector<16xf32>
      %mul3A_359 = arith.constant 1.52587891E-5 : f32
      %mul3A_360 = vector.broadcast %mul3A_359 : f32 to vector<16xf32>
      %mul3A_361 = arith.mulf %sub3A_358, %mul3A_360 : vector<16xf32>
      %swap3A_362 = arith.constant 0 : i32
      %swap3A_363 = arith.index_cast %swap3A_362 : i32 to index
      %swap3A_364 = arith.constant 208 : index
      %swap3A_365 = tpu.vector_load %arg11[%swap3A_363, %swap3A_364] {strides = array<i32>} : memref<1x256xf32, #tpu.memory_space<vmem>>, vector<1x16xf32>,
      %swap3A_366 = vector.shape_cast %swap3A_365 : vector<1x16xf32> to vector<16xf32>
      %swap3A_367 = vector.shape_cast %mul3A_361 : vector<16xf32> to vector<1x16xf32>
      tpu.vector_store %arg11[%swap3A_363, %swap3A_364], %swap3A_367 {strides = array<i32>} : memref<1x256xf32, #tpu.memory_space<vmem>>, vector<1x16xf32>,
      %get3A_368 = arith.constant 0 : i32
      %get3A_369 = arith.index_cast %get3A_368 : i32 to index
      %get3A_370 = arith.constant 224 : index
      %get3A_371 = tpu.vector_load %arg9[%get3A_369, %get3A_370] {strides = array<i32>} : memref<1x256xf32, #tpu.memory_space<vmem>>, vector<1x16xf32>,
      %get3A_372 = vector.shape_cast %get3A_371 : vector<1x16xf32> to vector<16xf32>
      %get3A_373 = arith.constant 0 : i32
      %get3A_374 = arith.index_cast %get3A_373 : i32 to index
      %get3A_375 = arith.constant 224 : index
      %get3A_376 = tpu.vector_load %arg8[%get3A_374, %get3A_375] {strides = array<i32>} : memref<1x256xf32, #tpu.memory_space<vmem>>, vector<1x16xf32>,
      %get3A_377 = vector.shape_cast %get3A_376 : vector<1x16xf32> to vector<16xf32>
      %add3A_378 = arith.addf %get3A_372, %get3A_377 : vector<16xf32>
      %get3A_379 = arith.constant 0 : i32
      %get3A_380 = arith.index_cast %get3A_379 : i32 to index
      %get3A_381 = arith.constant 224 : index
      %get3A_382 = tpu.vector_load %arg7[%get3A_380, %get3A_381] {strides = array<i32>} : memref<16x256xf32, #tpu.memory_space<vmem>>, vector<1x16xf32>,
      %get3A_383 = vector.shape_cast %get3A_382 : vector<1x16xf32> to vector<16xf32>
      %sub3A_384 = arith.subf %add3A_378, %get3A_383 : vector<16xf32>
      %mul3A_385 = arith.constant 1.52587891E-5 : f32
      %mul3A_386 = vector.broadcast %mul3A_385 : f32 to vector<16xf32>
      %mul3A_387 = arith.mulf %sub3A_384, %mul3A_386 : vector<16xf32>
      %swap3A_388 = arith.constant 0 : i32
      %swap3A_389 = arith.index_cast %swap3A_388 : i32 to index
      %swap3A_390 = arith.constant 224 : index
      %swap3A_391 = tpu.vector_load %arg11[%swap3A_389, %swap3A_390] {strides = array<i32>} : memref<1x256xf32, #tpu.memory_space<vmem>>, vector<1x16xf32>,
      %swap3A_392 = vector.shape_cast %swap3A_391 : vector<1x16xf32> to vector<16xf32>
      %swap3A_393 = vector.shape_cast %mul3A_387 : vector<16xf32> to vector<1x16xf32>
      tpu.vector_store %arg11[%swap3A_389, %swap3A_390], %swap3A_393 {strides = array<i32>} : memref<1x256xf32, #tpu.memory_space<vmem>>, vector<1x16xf32>,
      %get3A_394 = arith.constant 0 : i32
      %get3A_395 = arith.index_cast %get3A_394 : i32 to index
      %get3A_396 = arith.constant 240 : index
      %get3A_397 = tpu.vector_load %arg9[%get3A_395, %get3A_396] {strides = array<i32>} : memref<1x256xf32, #tpu.memory_space<vmem>>, vector<1x16xf32>,
      %get3A_398 = vector.shape_cast %get3A_397 : vector<1x16xf32> to vector<16xf32>
      %get3A_399 = arith.constant 0 : i32
      %get3A_400 = arith.index_cast %get3A_399 : i32 to index
      %get3A_401 = arith.constant 240 : index
      %get3A_402 = tpu.vector_load %arg8[%get3A_400, %get3A_401] {strides = array<i32>} : memref<1x256xf32, #tpu.memory_space<vmem>>, vector<1x16xf32>,
      %get3A_403 = vector.shape_cast %get3A_402 : vector<1x16xf32> to vector<16xf32>
      %add3A_404 = arith.addf %get3A_398, %get3A_403 : vector<16xf32>
      %get3A_405 = arith.constant 0 : i32
      %get3A_406 = arith.index_cast %get3A_405 : i32 to index
      %get3A_407 = arith.constant 240 : index
      %get3A_408 = tpu.vector_load %arg7[%get3A_406, %get3A_407] {strides = array<i32>} : memref<16x256xf32, #tpu.memory_space<vmem>>, vector<1x16xf32>,
      %get3A_409 = vector.shape_cast %get3A_408 : vector<1x16xf32> to vector<16xf32>
      %sub3A_410 = arith.subf %add3A_404, %get3A_409 : vector<16xf32>
      %mul3A_411 = arith.constant 1.52587891E-5 : f32
      %mul3A_412 = vector.broadcast %mul3A_411 : f32 to vector<16xf32>
      %mul3A_413 = arith.mulf %sub3A_410, %mul3A_412 : vector<16xf32>
      %swap3A_414 = arith.constant 0 : i32
      %swap3A_415 = arith.index_cast %swap3A_414 : i32 to index
      %swap3A_416 = arith.constant 240 : index
      %swap3A_417 = tpu.vector_load %arg11[%swap3A_415, %swap3A_416] {strides = array<i32>} : memref<1x256xf32, #tpu.memory_space<vmem>>, vector<1x16xf32>,
      %swap3A_418 = vector.shape_cast %swap3A_417 : vector<1x16xf32> to vector<16xf32>
      %swap3A_419 = vector.shape_cast %mul3A_413 : vector<16xf32> to vector<1x16xf32>
      tpu.vector_store %arg11[%swap3A_415, %swap3A_416], %swap3A_419 {strides = array<i32>} : memref<1x256xf32, #tpu.memory_space<vmem>>, vector<1x16xf32>,
      "tpu.region"() ({
        %run_scoped3A = tpu.sem_alloc : memref<!tpu.dma_semaphore, #tpu.memory_space<semaphore_mem>>
        tpu.enqueue_dma source(%arg11 : memref<1x256xf32, #tpu.memory_space<vmem>>) target(%arg6 : memref<1x256xf32, #tpu.memory_space<hbm>>) target_semaphore(%run_scoped3A : memref<!tpu.dma_semaphore, #tpu.memory_space<semaphore_mem>>)
        tpu.wait_dma2 semaphore(%run_scoped3A : memref<!tpu.dma_semaphore, #tpu.memory_space<semaphore_mem>>) src(%arg11 : memref<1x256xf32, #tpu.memory_space<vmem>>) dst(%arg6 : memref<1x256xf32, #tpu.memory_space<hbm>>)
        tpu.yield
      }) : () -> ()
    } else {
    }
    return
  }
}

module attributes {stable_mosaic.version = 14 : i64} {
  func.func @_tc_reduce(%arg0: i32, %arg1: memref<8192x256xf32, #tpu.memory_space<vmem>>, %arg2: memref<1x256xf32, #tpu.memory_space<vmem>>) attributes {dimension_semantics = [#tpu.dimension_semantics<arbitrary>], iteration_bounds = array<i64: 8>, scalar_prefetch = 0 : i64, scratch_operands = 0 : i64, tpu.core_type = #tpu.core_type<tc>, window_params = [{transform_indices = @transform_0, window_bounds = array<i64: 8192, 256>}, {pipeline_mode = #tpu.pipeline_mode<synchronous>, transform_indices = @transform_1, window_bounds = array<i64: 1, 256>}]} {
    %eq3A = arith.constant 0 : i32
    %eq3A_0 = arith.cmpi eq, %arg0, %eq3A : i32
    %convert_element_type3A = arith.extui %eq3A_0 : i1 to i32
    %cond3A = arith.constant 0 : i32
    %cond3A_1 = arith.cmpi ne, %convert_element_type3A, %cond3A : i32
    scf.if %cond3A_1 {
      %broadcast_in_dim3A_10 = arith.constant 0.000000e+00 : f32
      %broadcast_in_dim3A_11 = vector.broadcast %broadcast_in_dim3A_10 : f32 to vector<1x256xf32>
      %swap3A_12 = arith.constant 0 : index
      %swap3A_13 = arith.constant 0 : index
      %swap3A_14 = vector.load %arg2[%swap3A_12, %swap3A_13] : memref<1x256xf32, #tpu.memory_space<vmem>>, vector<1x256xf32>
      tpu.vector_store %arg2[%swap3A_12, %swap3A_13], %broadcast_in_dim3A_11 {strides = array<i32>} : memref<1x256xf32, #tpu.memory_space<vmem>>, vector<1x256xf32>,
    } else {
    }
    %get3A = arith.constant 0 : index
    %get3A_2 = arith.constant 0 : index
    %get3A_3 = vector.load %arg2[%get3A, %get3A_2] : memref<1x256xf32, #tpu.memory_space<vmem>>, vector<1x256xf32>
    %get3A_4 = arith.constant 0 : index
    %get3A_5 = arith.constant 0 : index
    %get3A_6 = vector.load %arg1[%get3A_4, %get3A_5] : memref<8192x256xf32, #tpu.memory_space<vmem>>, vector<8192x256xf32>
    %reduce_sum3A = arith.constant dense<0.000000e+00> : vector<256xf32>
    %reduce_sum3A_7 = vector.multi_reduction <add>, %get3A_6, %reduce_sum3A [0] : vector<8192x256xf32> to vector<256xf32>
    %broadcast_in_dim3A = vector.shape_cast %reduce_sum3A_7 : vector<256xf32> to vector<1x256xf32>
    %add3A = arith.addf %get3A_3, %broadcast_in_dim3A : vector<1x256xf32>
    %swap3A = arith.constant 0 : index
    %swap3A_8 = arith.constant 0 : index
    %swap3A_9 = vector.load %arg2[%swap3A, %swap3A_8] : memref<1x256xf32, #tpu.memory_space<vmem>>, vector<1x256xf32>
    tpu.vector_store %arg2[%swap3A, %swap3A_8], %add3A {strides = array<i32>} : memref<1x256xf32, #tpu.memory_space<vmem>>, vector<1x256xf32>,
    return
  }
  func.func @transform_0(%arg0: i32) -> (i32, i32) {
    %c0_i32 = arith.constant 0 : i32
    %c0_i32_0 = arith.constant 0 : i32
    return %arg0, %c0_i32 : i32, i32
  }
  func.func @transform_1(%arg0: i32) -> (i32, i32) {
    %c0_i32 = arith.constant 0 : i32
    %c0_i32_0 = arith.constant 0 : i32
    %c0_i32_1 = arith.constant 0 : i32
    return %c0_i32, %c0_i32_0 : i32, i32
  }
}

</mosaic_0001>

<sc_bundles>
// kernel: kernel.4.cloned.1.call-start
scs
__scs_entry_jumppad:
0x0: {  	(pc) =	sbr.rel $0x88, $3  }
0x1: {  	(tag) =	ssettag $0x0;
	lr =	simm.s32 $0x1  }
0x2: {  	[smem:$0x3F9E] =	sst lr;
	_ =	strace $0xD0000000  }
0x3: {  	_ = 	snop  }
0x4: {  	_ = 	snop  }
0x5: {  	_ = 	snop  }
0x6: {  	_ = 	snop  }
0x7: {  	_ = 	snop  }
__scs_overlays_trampoline_lowered:
0x8: {  	[smem:$0x3FAD] =	sst s0  }
0x9: {  	[smem:$0x3FAE] =	sst s1  }
0xa: {  	[smem:$0x3FAF] =	sst s2  }
0xb: {  	[smem:$0x3FB0] =	sst s3  }
0xc: {  	[smem:$0x3FB1] =	sst s4  }
0xd: {  	[smem:$0x3FB2] =	sst s5  }
0xe: {  	[smem:$0x3FB3] =	sst s6  }
0xf: {  	[smem:$0x3FB4] =	sst s7  }
0x10: {  	[smem:$0x3FB5] =	sst s8  }
0x11: {  	[smem:$0x3FB6] =	sst s9;
	s0 =	simm.s32 @!p0 $0x0  }
0x12: {  	s1 =	sld [smem:$0x3F9C];
	s0 =	simm.s32 @p0 $0x1  }
0x13: {  	[smem:$0x3FB7] =	sst s0;
	s0 =	simm.s32 @!p1 $0x0  }
0x14: {  	s2 =	sld [smem:$0x3F9B];
	s0 =	simm.s32 @p1 $0x1  }
0x15: {  	[smem:$0x3FB8] =	sst s0;
	s0 =	simm.s32 @!p2 $0x0  }
0x16: {  	s3 =	sld [smem:$0x3FDB];
	s0 =	simm.s32 @p2 $0x1  }
0x17: {  	s4 =	simm.s32 $0x1BF5;
	[smem:$0x3FBA] =	sst s0  }
0x18: {  	s0 =	sld [smem:$0x3F9D];
	_ =	swait.ge [sflag:s4], $0x0  }
0x19: {  	s7 =	sld [smem:$0x3F9E]  }
0x1a: {  	s8 =	sadd.s32 $0xFFFFE003, lr  }
0x1b: {  	s9 =	sadd.s32 $0xFFFFFEF7, lr;
	s5 =	simm.s32 $0xFFFFFFFF;
	p2 =	slt.u32 s8, $0xFFFFF086  }
0x1c: {  	p1 =	slt.u32 s9, $0xF7A;
	s5 =	simm.s32 @!p2 $0x0  }
0x1d: {  	s5 =	simm.s32 @p1 $0x1;
	p0 =	seq.s32 s7, s2  }
0x1e: {  	s7 =	smul.u32 @!p0 $0xF7A, s2;
	p2 =	seq.s32 @!p0 s5, $0x0  }
0x1f: {  	s9 =	smul.u32 $0xF7A, s1;
	s8 =	simm.s32 @!p0 $0x1BF5;
	p2 =	por !p2, p0  }
0x20: {  	[sflag:s8] =	ssyncset.s32 @!p0 $0xFFFFF086;
	s6 =	sadd.s32 @!p0 s3, s7;
	s7 =	simm.s32 @!p0 $0x108  }
0x21: {  	s3 =	sadd.s32 s3, s9;
	s6 =	sadd.s32 @!p0 $0x88, s6;
	s7 =	simm.s32 @p2 $0x1082  }
0x22: {  	[simem:s7], [sflag:s8] =	dma.local @!p0 [hbm:s6], $0xF7A  }
0x23: {  	s9 =	sor.u32 $0xD0000000, s2;
	s6 =	simm.s32 $0x108;
	_ =	swait.ge @!p0 [sflag:s8], $0x0  }
0x24: {  	s3 =	sadd.s32 $0x88, s3;
	s6 =	simm.s32 @!p1 $0x1082;
	[sflag:s4] =	ssyncset.s32 $0xFFFFF086  }
0x25: {  	[simem:s6], [sflag:s4] =	dma.local [hbm:s3], $0xF7A  }
0x26: {  	[smem:$0x3F9E] =	sst s1;
	(tag) =	ssettag s2;
	_ =	strace s9  }
0x27: {  	s1 =	sld [smem:$0x3FAE]  }
0x28: {  	s2 =	sld [smem:$0x3FAF]  }
0x29: {  	s4 =	sld [smem:$0x3FB1]  }
0x2a: {  	p0 =	seq.s32 s5, $0x0;
	s5 =	sld [smem:$0x3FB2]  }
0x2b: {  	s6 =	sld [smem:$0x3FB3]  }
0x2c: {  	s7 =	sld [smem:$0x3FB4]  }
0x2d: {  	s3 =	simm.s32 $0x108;
	s8 =	sld [smem:$0x3FB5]  }
0x2e: {  	s3 =	simm.s32 @!p0 $0x1082;
	s9 =	sld [smem:$0x3FB6]  }
0x2f: {  	lr =	sadd.s32 s0, s3;
	s0 =	sld [smem:$0x3FAD]  }
0x30: {  	s3 =	sld [smem:$0x3FB0]  }
0x31: {  	[smem:$0x3FB9] =	sst s10  }
0x32: {  	s10 =	sld [smem:$0x3FB7];
	_ =	sdelay $0x3  }
0x33: {  	p0 =	seq.s32 s10, $0x1;
	s10 =	sld [smem:$0x3FB9];
	_ =	sdelay $0x3  }
0x34: {  	[smem:$0x3FB9] =	sst s10  }
0x35: {  	s10 =	sld [smem:$0x3FB8];
	_ =	sdelay $0x3  }
0x36: {  	p1 =	seq.s32 s10, $0x1;
	s10 =	sld [smem:$0x3FB9];
	_ =	sdelay $0x3  }
0x37: {  	[smem:$0x3FB9] =	sst s10  }
0x38: {  	s10 =	sld [smem:$0x3FBA]  }
0x39: {  	_ = 	snop;
	(pc) =	sbr.ind lr, $3  }
0x3a: {  	_ = 	snop  }
0x3b: {  	_ = 	snop  }
0x3c: {  	p2 =	seq.s32 s10, $0x1;
	s10 =	sld [smem:$0x3FB9]  }
0x3d: {  	_ =	shalt  }
0x3e: {  	_ =	shalt  }
0x3f: {  	_ =	shalt  }
0x40: {  	_ =	shalt  }
0x41: {  	_ =	shalt  }
0x42: {  	_ =	shalt  }
0x43: {  	_ =	shalt  }
0x44: {  	_ =	shalt  }
0x45: {  	_ =	shalt  }
0x46: {  	_ =	shalt  }
0x47: {  	_ =	shalt  }
0x48: {  	_ =	shalt  }
0x49: {  	_ =	shalt  }
0x4a: {  	_ =	shalt  }
0x4b: {  	_ =	shalt  }
0x4c: {  	_ =	shalt  }
0x4d: {  	_ =	shalt  }
0x4e: {  	_ =	shalt  }
0x4f: {  	_ =	shalt  }
0x50: {  	_ =	shalt  }
0x51: {  	_ =	shalt  }
0x52: {  	_ =	shalt  }
0x53: {  	_ =	shalt  }
0x54: {  	_ =	shalt  }
0x55: {  	_ =	shalt  }
0x56: {  	_ =	shalt  }
0x57: {  	_ =	shalt  }
0x58: {  	_ =	shalt  }
0x59: {  	_ =	shalt  }
0x5a: {  	_ =	shalt  }
0x5b: {  	_ =	shalt  }
0x5c: {  	_ =	shalt  }
0x5d: {  	_ =	shalt  }
0x5e: {  	_ =	shalt  }
0x5f: {  	_ =	shalt  }
0x60: {  	_ =	shalt  }
0x61: {  	_ =	shalt  }
0x62: {  	_ =	shalt  }
0x63: {  	_ =	shalt  }
0x64: {  	_ =	shalt  }
0x65: {  	_ =	shalt  }
0x66: {  	_ =	shalt  }
0x67: {  	_ =	shalt  }
0x68: {  	_ =	shalt  }
0x69: {  	_ =	shalt  }
0x6a: {  	_ =	shalt  }
0x6b: {  	_ =	shalt  }
0x6c: {  	_ =	shalt  }
0x6d: {  	_ =	shalt  }
0x6e: {  	_ =	shalt  }
0x6f: {  	_ =	shalt  }
0x70: {  	_ =	shalt  }
0x71: {  	_ =	shalt  }
0x72: {  	_ =	shalt  }
0x73: {  	_ =	shalt  }
0x74: {  	_ =	shalt  }
0x75: {  	_ =	shalt  }
0x76: {  	_ =	shalt  }
0x77: {  	_ =	shalt  }
0x78: {  	_ =	shalt  }
0x79: {  	_ =	shalt  }
0x7a: {  	_ =	shalt  }
0x7b: {  	_ =	shalt  }
0x7c: {  	_ =	shalt  }
0x7d: {  	_ =	shalt  }
0x7e: {  	_ =	shalt  }
0x7f: {  	_ =	shalt  }
0x80: {  	_ =	shalt  }
0x81: {  	_ =	shalt  }
0x82: {  	_ =	shalt  }
0x83: {  	_ =	shalt  }
0x84: {  	_ =	shalt  }
0x85: {  	_ =	shalt  }
0x86: {  	_ =	shalt  }
0x87: {  	_ =	shalt  }
.Lfunc_end0:
.L_simem_size_0:
called_computation_lowered:
.L_overlay_start_0:
0x88: {  	s0 =	sld [smem:$0x3FD9]  }
0x89: {  	s1 =	sld [smem:$0x3FFE];
	_ =	sdelay $0x3  }
0x8a: {  	s0 =	sadd.s32 s1, s0  }
0x8b: {  	[smem:$0x3FC5] =	sst s0  }
0x8c: {  	_ = 	snop  }
0x8d: {  	s0 =	sld [smem:$0x3FC9]  }
0x8e: {  	s16 =	sld [smem:$0x3FC8]  }
0x8f: {  	s2 =	sld [smem:$0x3FD0];
	(tm) =	ssettm $0x1  }
0x90: {  	s3 =	sld [smem:$0x3FFB];
	_ =	sdelay $0x3  }
0x91: {  	_ =	strace s3  }
0x92: {  	s3 =	sld [smem:$0x3FFC];
	_ =	sdelay $0x3  }
0x93: {  	_ =	strace s3  }
0x94: {  	s3 =	sld [smem:$0x3FFD];
	_ =	sdelay $0x3  }
0x95: {  	_ =	strace s3  }
0x96: {  	_ =	strace $0x8FFFFFFF  }
0x97: {  	s17 =	sld [smem:$0x3FDB];
	_ =	sdelay $0x1  }
0x98: {  	s4 =	simm.s32 $_scs_section_size  }
0x99: {  	s5 =	simm.s32 $_size__tile_overlayer_lowered;
	s6 =	simm.s32 $_tile_overlayer_lowered  }
0x9a: {  	s20 =	simm.s32 $0x1BFF;
	s19 =	sshll.u32 s6, $0x1;
	s3 =	sadd.s32 s4, s17  }
0x9b: {  	s7 =	simm.s32 $0x0;
	s18 =	sshll.u32 s5, $0x1;
	s5 =	sadd.s32 s19, s3  }
0x9c: {  	[timem:s7], [sflag:s20] =	dma.local [hbm:s5], s18  }
0x9d: {  	_ =	swait.ge [sflag:s20], s18  }
0x9e: {  	s4 =	ssub.s32 $0x0, s18;
	[sflag:s20] =	ssyncset.done $0x0  }
0x9f: {  	[sflag:s20] =	ssyncadd.s32 s4;
	_ =	sdelay $0x1  }
0xa0: {  	s21 =	simm.s32 $0x1B8B  }
0xa1: {  	_ =	swait.ge [sflag:s21], $0x1  }
0xa2: {  	[sflag:s21] =	ssyncset.done $0x0  }
0xa3: {  	s23 =	simm.s32 $0x1B8E;
	s22 =	sld [smem:$0x3FFE];
	[sflag:s21] =	ssyncadd.s32 $0xFFFFFFFF  }
0xa4: {  	s24 =	simm.s32 $execute0_lowered;
	[smem:$0x3FD2] =	sst s23  }
0xa5: {  	s5 =	sshll.u32 s24, $0x1;
	_ =	strace $0x80000046;
	[dreg:$0x1] =	wrdreg $0xFFFFFFFF  }
0xa6: {  	s25 =	simm.s32 $_size_execute0_lowered;
	s3 =	sadd.s32 s3, s5;
	[dreg:$0x0] =	wrdreg $0x0  }
0xa7: {  	s5 =	sshll.u32 s25, $0x1;
	[dreg:$0x2] =	wrdreg s3  }
0xa8: {  	[dreg:$0x3] =	wrdreg s5  }
0xa9: {  	[dreg:$0x4] =	wrdreg $0xC0  }
0xaa: {  	_ =	task [dreg:s7], $0x5FFFF  }
0xab: {  	[dreg:$0x1] =	wrdreg $0xFFFFFFFF  }
0xac: {  	[dreg:$0x0] =	wrdreg $0x60  }
0xad: {  	[dreg:$0x2] =	wrdreg s16  }
0xae: {  	[dreg:$0x3] =	wrdreg s0  }
0xaf: {  	[dreg:$0x4] =	wrdreg s22  }
0xb0: {  	[dreg:$0x5] =	wrdreg s2  }
0xb1: {  	[dreg:$0x6] =	wrdreg $0x9  }
0xb2: {  	_ =	task.clear_ibuf [dreg:s7], $0x7FFFF;
	_ =	strace $0x90000046  }
0xb3: {  	s26 =	simm.s32 $0x9;
	_ =	strace $0x80000048  }
0xb4: {  	_ =	swait.ge [sflag:s26], $0x1  }
0xb5: {  	[sflag:s26] =	ssyncadd.s32 $0xFFFFFFFF  }
0xb6: {  	_ =	strace $0x90000048  }
0xb7: {  	_ =	sfence  }
0xb8: {  	s28 =	sld [smem:$0x0];
	_ =	sdelay $0x1  }
0xb9: {  	s29 =	srdreg.scid  }
0xba: {  	s30 =	sshll.u32 s29, $0xD;
	s31 =	sshrl.u32 s29, $0x2  }
0xbb: {  	s1 =	sand.u32 $0x1, s29;
	s2 =	sand.u32 $0x4000, s30;
	s0 =	sadd.s32 s31, s28  }
0xbc: {  	s1 =	sor.u32 s2, s1;
	s0 =	sshll.u32 s0, $0x11  }
0xbd: {  	s0 =	sor.u32 s0, s1  }
0xbe: {  	s0 =	sadd.s32 $0x8F2B, s0  }
0xbf: {  	[sflag:s0] =	ssyncadd.remote.s32 $0x1  }
0xc0: {  	_ =	sfence.sel $0xFFFF  }
0xc1: {  	[dreg:$0x0] =	wrdreg $0xFFFFFFFF;
	(pc) =	sbr.abs _section_cstart, $3  }
0xc2: {  	[dreg:$0x1] =	wrdreg $0xFFFFFFFF  }
0xc3: {  	_ =	task.clear_ibuf [dreg:s7], $0x2FFFF;
	_ =	strace $0x9FFFFFFF  }
0xc4: {  	(tm) =	ssettm $0x7FFFFFFF  }
0xc5: {  	_ =	shalt  }
tec
execute0_lowered:
.L_overlay_start_1:
0x0: {  	(tag) =	ssettag $0x1  }
0x1: {  	s4 =	rddreg [dreg:$0x0]  }
0x2: {  	s5 =	rddreg [dreg:$0x1]  }
0x3: {  	s3 =	rddreg [dreg:$0x2]  }
0x4: {  	s1 =	rddreg [dreg:$0x3];
	s2 =	stileid.u32  }
0x5: {  	s0 =	rddreg [dreg:$0x4];
	_ =	strace $0x80000047;
	p0 =	sne.s32 s2, $0x0  }
0x6: {  	_ =	sfence.sel @p0 $0x180000  }
0x7: {  	[bflag:$0x0] =	sbarrier.arrive @p0 $0xFFFF  }
0x8: {  	_ =	strace @p0 $0x90000047  }
0x9: {  	[bflag:$0x2] =	sbarrier.arrive @p0 $0xFFFF  }
0xa: {  	_ =	shalt @p0  }
.LBB2_1:
0xb: {  	s2 =	simm.s32 $0x0;
	s6 =	simm.s32 $0x1000  }
0xc: {  	[tilespmem:s6], [sflag:$0x2] =	stream.linear.gather [hbm4b:s5+s2], $0x100, $0x38;
	[tilespmem:$0x1380] =	vst v63  }
0xd: {  	s21 =	sadd.s32 $0x600, s3;
	s22 =	simm.s32 $0x1100  }
0xe: {  	[tilespmem:s22], [sflag:$0x3] =	stream.linear.gather [hbm4b:s21+s2], $0x100, $0x38;
	[tilespmem:$0x1380] =	vst v63  }
0xf: {  	s23 =	sadd.s32 $0x800, s3;
	s24 =	simm.s32 $0x1200;
	s25 =	simm.s32 $0x4  }
0x10: {  	[tilespmem:s24], [sflag:$0x4] =	stream.linear.gather [hbm4b:s23+s2], $0x80, $0x38;
	[tilespmem:$0x1380] =	vst v63  }
0x11: {  	_ =	swait.ge [sflag:s25], $0x80  }
0x12: {  	[sflag:s25] =	ssyncset.done $0x0  }
0x13: {  	[sflag:s25] =	ssyncadd.s32 $0xFFFFFF80  }
0x14: {  	v0 =	vld [tilespmem:$0x1200];
	_ =	sdelay $0x4  }
0x15: {  	v1 =	vshll.u32 v0, $0x1  }
0x16: {  	v2 =	vlaneseq.u32;
	v0 =	vand.u32 $0x7, v0;
	v1 =	vand.u32 $0xFFFFFFF0, v1  }
0x17: {  	v51 =	vand.u32 $0x7, v2;
	v3 =	vshrl.u32 v2, $0x3;
	v0 =	vor.u32 v0, v1  }
0x18: {  	v3 =	vmul.u32 $0x8, v3;
	v1 =	vperm.xlane v0, v51  }
0x19: {  	v2 =	vor.u32 $0x8, v2  }
0x1a: {  	v0 =	vperm.xlane v0, v2;
	v1 =	vadd.s32 v3, v1;
	_ =	sdelay $0x1  }
0x1b: {  	v0 =	vadd.s32 v3, v0;
	_ =	sdelay $0x1  }
0x1c: {  	vm0 =	vmmov $0xffff  }
0x1d: {  	[tilespmem:s2], [sflag:$0x1] =	stream.indirect_vreg.gather [hbm4b:s4+s2], $0x80, v1, vm0, $0xb8;
	[tilespmem:$0x1380] =	vst v63  }
0x1e: {  	s26 =	simm.s32 $0x800;
	s28 =	simm.s32 $0x1  }
0x1f: {  	[tilespmem:s26], [sflag:$0x1] =	stream.indirect_vreg.gather [hbm4b:s4+s2], $0x80, v0, vm0, $0xb8;
	[tilespmem:$0x1380] =	vst v63  }
0x20: {  	_ =	swait.ge [sflag:s28], $0x1000  }
0x21: {  	[sflag:s28] =	ssyncset.done $0x0  }
0x22: {  	s29 =	simm.s32 $0x2;
	[sflag:s28] =	ssyncadd.s32 $0xFFFFF000  }
0x23: {  	_ =	swait.ge [sflag:s29], $0x100  }
0x24: {  	[sflag:s29] =	ssyncset.done $0x0  }
0x25: {  	s30 =	simm.s32 $0x3;
	[sflag:s29] =	ssyncadd.s32 $0xFFFFFF00  }
0x26: {  	_ =	swait.ge [sflag:s30], $0x100  }
0x27: {  	[sflag:s30] =	ssyncset.done $0x0  }
0x28: {  	[sflag:s30] =	ssyncadd.s32 $0xFFFFFF00  }
0x29: {  	v52 =	vld [tilespmem:$0x1100]  }
0x2a: {  	v53 =	vld [tilespmem:$0x1000]  }
0x2b: {  	v54 =	vld [tilespmem:$0x0]  }
0x2c: {  	v55 =	vld [tilespmem:$0x1110]  }
0x2d: {  	v4 =	vld [tilespmem:$0x1010]  }
0x2e: {  	v5 =	vld [tilespmem:$0x10]  }
0x2f: {  	v6 =	vld [tilespmem:$0x1120]  }
0x30: {  	v7 =	vld [tilespmem:$0x1020]  }
0x31: {  	v8 =	vld [tilespmem:$0x20]  }
0x32: {  	v9 =	vld [tilespmem:$0x1130]  }
0x33: {  	v10 =	vld [tilespmem:$0x1030]  }
0x34: {  	v11 =	vld [tilespmem:$0x30]  }
0x35: {  	v12 =	vld [tilespmem:$0x1140]  }
0x36: {  	v13 =	vld [tilespmem:$0x1040]  }
0x37: {  	v14 =	vld [tilespmem:$0x40]  }
0x38: {  	v15 =	vld [tilespmem:$0x1150]  }
0x39: {  	v16 =	vld [tilespmem:$0x1050]  }
0x3a: {  	v17 =	vld [tilespmem:$0x50]  }
0x3b: {  	v18 =	vld [tilespmem:$0x1160]  }
0x3c: {  	v19 =	vld [tilespmem:$0x1060]  }
0x3d: {  	v20 =	vld [tilespmem:$0x60]  }
0x3e: {  	v21 =	vld [tilespmem:$0x1170]  }
0x3f: {  	v22 =	vld [tilespmem:$0x1070]  }
0x40: {  	v23 =	vld [tilespmem:$0x70]  }
0x41: {  	v24 =	vld [tilespmem:$0x1180]  }
0x42: {  	v25 =	vld [tilespmem:$0x1080]  }
0x43: {  	v26 =	vld [tilespmem:$0x400]  }
0x44: {  	v27 =	vld [tilespmem:$0x1190]  }
0x45: {  	v28 =	vld [tilespmem:$0x1090]  }
0x46: {  	v30 =	vld [tilespmem:$0x11A0]  }
0x47: {  	v31 =	vld [tilespmem:$0x10A0]  }
0x48: {  	v33 =	vld [tilespmem:$0x11B0]  }
0x49: {  	v34 =	vld [tilespmem:$0x10B0]  }
0x4a: {  	v56 =	vld [tilespmem:$0x430]  }
0x4b: {  	v57 =	vld [tilespmem:$0x11C0]  }
0x4c: {  	v59 =	vld [tilespmem:$0x10C0];
	v0 =	vadd.f32 v53, v52  }
0x4d: {  	v61 =	vld [tilespmem:$0x440];
	v3 =	vadd.f32 v4, v55;
	v58 =	vadd.f32 v7, v6  }
0x4e: {  	v63 =	vld [tilespmem:$0x11D0];
	v60 =	vadd.f32 v10, v9;
	v62 =	vadd.f32 v13, v12  }
0x4f: {  	v41 =	vld [tilespmem:$0x11E0];
	v16 =	vadd.f32 v16, v15;
	v0 =	vsub.f32 v0, v54  }
0x50: {  	v44 =	vld [tilespmem:$0x10E0];
	v37 =	vadd.f32 v19, v18;
	v3 =	vsub.f32 v3, v5  }
0x51: {  	v47 =	vld [tilespmem:$0x11F0];
	v52 =	vadd.f32 v34, v33;
	v2 =	vsub.f32 v58, v8;
	v0 =	vmul.f32 $1.525878910e-05, v0  }
0x52: {  	v50 =	vld [tilespmem:$0x10F0];
	v40 =	vadd.f32 v22, v21;
	v5 =	vsub.f32 v60, v11;
	v3 =	vmul.f32 $1.525878910e-05, v3  }
0x53: {  	v43 =	vadd.f32 v25, v24;
	v53 =	vld [tilespmem:$0x460];
	v1 =	vsub.f32 v52, v56;
	v2 =	vmul.f32 $1.525878910e-05, v2;
	[tilespmem:$0x1280] =	vst v0  }
0x54: {  	v46 =	vadd.f32 v28, v27;
	v55 =	vld [tilespmem:$0x470];
	v36 =	vsub.f32 v62, v14;
	v5 =	vmul.f32 $1.525878910e-05, v5;
	[tilespmem:$0x1290] =	vst v3  }
0x55: {  	v35 =	vld [tilespmem:$0x10D0];
	v4 =	vadd.f32 v59, v57;
	v39 =	vsub.f32 v16, v17;
	v1 =	vmul.f32 $1.525878910e-05, v1;
	[tilespmem:$0x12A0] =	vst v2  }
0x56: {  	v29 =	vld [tilespmem:$0x410];
	v42 =	vsub.f32 v37, v20;
	v58 =	vadd.f32 v44, v41;
	v0 =	vmul.f32 $1.525878910e-05, v36;
	[tilespmem:$0x12B0] =	vst v5  }
0x57: {  	v32 =	vld [tilespmem:$0x420];
	v45 =	vsub.f32 v40, v23;
	v60 =	vadd.f32 v50, v47;
	v3 =	vmul.f32 $1.525878910e-05, v39;
	[tilespmem:$0x1330] =	vst v1  }
0x58: {  	v57 =	vsub.f32 v4, v61;
	v61 =	vsub.f32 v58, v53;
	v2 =	vmul.f32 $1.525878910e-05, v42;
	[tilespmem:$0x12C0] =	vst v0  }
0x59: {  	v38 =	vld [tilespmem:$0x450];
	v49 =	vadd.f32 v31, v30;
	v62 =	vsub.f32 v60, v55;
	v5 =	vmul.f32 $1.525878910e-05, v45;
	[tilespmem:$0x12D0] =	vst v3  }
0x5a: {  	v48 =	vsub.f32 v43, v26;
	v56 =	vadd.f32 v35, v63;
	v63 =	vmul.f32 $1.525878910e-05, v61;
	[tilespmem:$0x12E0] =	vst v2  }
0x5b: {  	v51 =	vsub.f32 v46, v29;
	v1 =	vmul.f32 $1.525878910e-05, v62;
	[tilespmem:$0x12F0] =	vst v5  }
0x5c: {  	v54 =	vsub.f32 v49, v32;
	v0 =	vmul.f32 $1.525878910e-05, v48;
	[tilespmem:$0x1360] =	vst v63  }
0x5d: {  	v3 =	vmul.f32 $1.525878910e-05, v51;
	[tilespmem:$0x1370] =	vst v1  }
0x5e: {  	v59 =	vsub.f32 v56, v38;
	v2 =	vmul.f32 $1.525878910e-05, v54;
	[tilespmem:$0x1300] =	vst v0  }
0x5f: {  	[tilespmem:$0x1310] =	vst v3;
	v0 =	vmul.f32 $1.525878910e-05, v57  }
0x60: {  	[tilespmem:$0x1320] =	vst v2;
	v3 =	vmul.f32 $1.525878910e-05, v59  }
0x61: {  	[tilespmem:$0x1340] =	vst v0  }
0x62: {  	s31 =	simm.s32 $0x1280;
	[tilespmem:$0x1350] =	vst v3  }
0x63: {  	[hbm4b:s1+s2] =	stream.linear.scatter [tilespmem:s31], [sflag:$0x4], $0x100, $0x38;
	[tilespmem:$0x1380] =	vst v63  }
0x64: {  	_ =	swait.ge [sflag:s25], $0x100  }
0x65: {  	[sflag:s25] =	ssyncset.done $0x0  }
0x66: {  	[sflag:s25] =	ssyncadd.s32 $0xFFFFFF00  }
0x67: {  	_ =	sfence.sel $0x180000  }
0x68: {  	[bflag:$0x0] =	sbarrier.arrive $0xFFFF  }
0x69: {  	_ =	strace $0x90000047  }
0x6a: {  	s0 =	sadd.s32 $0x100000, s0;
	[bflag:$0x2] =	sbarrier.arrive $0xFFFF  }
0x6b: {  	[sflag:s0] =	ssyncadd.tile.s32 $0x1;
	_ =	shalt  }
.Lfunc_end2:
_tile_overlayer_lowered:
.L_overlay_start_2:
0x6c: {  	(tag) =	ssettag $0x2  }
0x6d: {  	s0 =	rddreg [dreg:$0x0];
	s2 =	stileid.u32  }
0x6e: {  	s1 =	rddreg [dreg:$0x1];
	p0 =	sne.s32 s2, $0x0  }
0x6f: {  	s3 =	rddreg [dreg:$0x2];
	[bflag:$0x3] =	sbarrier.arrive $0xFFFF;
	s2 =	simm.s32 @!p0 $0x1C04  }
0x70: {  	[timem:s3], [sflag:s2] =	dma.local @!p0 [hbm:s0], s1  }
0x71: {  	s0 =	simm.s32 @!p0 $0x4  }
0x72: {  	_ =	swait.ge @!p0 [sflag:s0], s1  }
0x73: {  	s1 =	ssub.s32 @!p0 $0x0, s1;
	[sflag:s0] =	ssyncset.done @!p0 $0x0  }
0x74: {  	[sflag:s0] =	ssyncadd.s32 @!p0 s1  }
0x75: {  	[bflag:$0x3] =	sbarrier.arrive $0xFFFF  }
0x76: {  	_ =	shalt  }

</sc_bundles>
